<compile_context>
chip_gen: v7x
topology: tpu7x:2x2x1
jax: 0.10.2.dev20260603
libtpu: 0.0.44.dev20260713+nightly
codegen_flags: <defaults>
</compile_context>

<pallas_src>
import jax
import jax.numpy as jnp
from jax import lax
from jax.experimental import pallas as pl
from jax.experimental.pallas import tpu as pltpu, tpu_sc as plsc

NC = 2
NS = 16
NW = NC * NS
D = 128
T = 20
BBLK = 128
NBUF = 6


def _gather_kernel(idx_hbm, table_hbm, out_hbm, idx_v, bufs, gsem, wsem):
    wid = lax.axis_index("s") * NC + lax.axis_index("c")
    base = wid * BBLK

    pltpu.sync_copy(idx_hbm.at[wid], idx_v)

    def wait_gather():
        pltpu.make_async_copy(
            table_hbm.at[pl.ds(0, BBLK)], bufs.at[0], gsem).wait()

    def wait_write():
        pltpu.make_async_copy(
            bufs.at[0], out_hbm.at[0, pl.ds(base, BBLK)], wsem).wait()

    for t in range(NBUF - 1):
        pltpu.async_copy(table_hbm.at[idx_v.at[t]], bufs.at[t], gsem)

    def body(t, _):
        nt = t + NBUF - 1

        @pl.when(jnp.logical_and(nt < T, t >= 1))
        def _():
            wait_write()

        @pl.when(nt < T)
        def _():
            pltpu.async_copy(
                table_hbm.at[idx_v.at[nt]], bufs.at[lax.rem(nt, NBUF)], gsem)

        wait_gather()
        pltpu.async_copy(
            bufs.at[lax.rem(t, NBUF)], out_hbm.at[t, pl.ds(base, BBLK)], wsem)
        return ()

    lax.fori_loop(0, T, body, (), unroll=False)

    for _ in range(NBUF):
        wait_write()


@jax.jit
def _embedding_lookup(idx3, table):
    b_rows = idx3.shape[0] * idx3.shape[2]
    mesh = plsc.VectorSubcoreMesh(core_axis_name="c", subcore_axis_name="s")
    out = pl.kernel(
        _gather_kernel,
        out_type=jax.ShapeDtypeStruct((T, b_rows, D), jnp.float32),
        mesh=mesh,
        scratch_types=[
            pltpu.VMEM((T, BBLK), jnp.int32),
            pltpu.VMEM((NBUF, BBLK, D), jnp.float32),
            pltpu.SemaphoreType.DMA,
            pltpu.SemaphoreType.DMA,
        ],
        compiler_params=pltpu.CompilerParams(
            use_tc_tiling_on_sc=True, needs_layout_passes=True),
    )(idx3, table)
    return jnp.transpose(out, (1, 0, 2))


def kernel(batch_original_ids, embedding_weight):
    b, t = batch_original_ids.shape
    idx3 = batch_original_ids.T.reshape(t, NW, b // NW).transpose(1, 0, 2)
    return _embedding_lookup(idx3, embedding_weight)

# --- scband reference (transcript-rebuilt; emitter-appended) ---
"""Pipeline reference for scband-sem-bed-26800595927529 (READ-ONLY COPY).

The authoritative reference and input builder live on the scoring server;
editing this copy changes nothing except your own understanding.
"""

import jax, jax.numpy as jnp
import numpy as np


def setup_inputs(seed: int = 0) -> dict:
    key = jax.random.key(seed)
    k1, k2 = jax.random.split(key)
    batch_original_ids = jax.random.randint(k1, (4096, 20), 0, 100000, dtype=jnp.int64 if jax.config.jax_enable_x64 else jnp.int32).astype(jnp.int32)
    embedding_weight = jax.random.normal(k2, (100000, 128), dtype=jnp.float32) * 0.02
    return {"batch_original_ids": batch_original_ids, "embedding_weight": embedding_weight}


def reference(batch_original_ids, embedding_weight):
    # Faithful core of SemBed.get_semantic_embedding:
    #   semantic_embedding = F.embedding(batch_original_ids, embedding_weight)
    # F.embedding is a row-gather from the embedding table.
    semantic_embedding = jnp.take(embedding_weight, batch_original_ids, axis=0)
    return semantic_embedding

if __name__ == "__main__":
    import jax
    _d = setup_inputs()
    print(jax.jit(kernel)(*tuple(_d.values())))

</pallas_src>

<mosaic_0001>
#map = affine_map<(d0, d1) -> (0, 0, 0)>
#map1 = affine_map<(d0, d1) -> (0, 0)>
module attributes {stable_mosaic.version = 14 : i64} {
  func.func @_gather_kernel(%arg0: i32, %arg1: i32, %arg2: memref<32x20x128xi32, #tpu.memory_space<hbm>>, %arg3: memref<100000x128xf32, #tpu.memory_space<hbm>>, %arg4: memref<20x4096x128xf32, #tpu.memory_space<hbm>>, %arg5: memref<20x128xi32, #tpu.memory_space<vmem>>, %arg6: memref<6x128x128xf32, #tpu.memory_space<vmem>>, %arg7: memref<!tpu.dma_semaphore, #tpu.memory_space<semaphore_mem>>, %arg8: memref<!tpu.dma_semaphore, #tpu.memory_space<semaphore_mem>>) attributes {dimension_semantics = [#tpu.dimension_semantics<core_parallel>, #tpu.dimension_semantics<subcore_parallel>], iteration_bounds = array<i64: 2, 16>, scalar_prefetch = 0 : i64, scratch_operands = 4 : i64, tpu.core_type = #tpu.core_type<sc_vector_subcore>, window_params = [{transform_indices = #map}, {transform_indices = #map1}, {transform_indices = #map}]} {
    %mul3A = arith.constant 2 : i32
    %mul3A_0 = arith.muli %arg1, %mul3A : i32
    %add3A = arith.addi %mul3A_0, %arg0 : i32
    %mul3A_1 = arith.constant 128 : i32
    %mul3A_2 = arith.muli %add3A, %mul3A_1 : i32
    "tpu.region"() ({
      %run_scoped3A = tpu.sem_alloc : memref<!tpu.dma_semaphore, #tpu.memory_space<semaphore_mem>>
      %dma_start3A_161 = arith.constant 0 : i32
      %dma_start3A_162 = arith.constant 0 : i32
      %dma_start3A_163 = tpu.memref_slice %arg2[%add3A, %dma_start3A_161, %dma_start3A_162] : memref<32x20x128xi32, #tpu.memory_space<hbm>> -> memref<1x20x128xi32, #tpu.memory_space<hbm>>
      %dma_start3A_164 = tpu.memref_squeeze %dma_start3A_163 : memref<1x20x128xi32, #tpu.memory_space<hbm>> -> memref<20x128xi32, #tpu.memory_space<hbm>>
      %dma_start3A_165 = arith.constant 0 : i32
      %dma_start3A_166 = arith.constant 0 : i32
      %dma_start3A_167 = tpu.memref_slice %arg2[%add3A, %dma_start3A_165, %dma_start3A_166] : memref<32x20x128xi32, #tpu.memory_space<hbm>> -> memref<1x20x128xi32, #tpu.memory_space<hbm>>
      %dma_start3A_168 = tpu.memref_squeeze %dma_start3A_167 : memref<1x20x128xi32, #tpu.memory_space<hbm>> -> memref<20x128xi32, #tpu.memory_space<hbm>>
      tpu.enqueue_dma source(%dma_start3A_168 : memref<20x128xi32, #tpu.memory_space<hbm>>) target(%arg5 : memref<20x128xi32, #tpu.memory_space<vmem>>) target_semaphore(%run_scoped3A : memref<!tpu.dma_semaphore, #tpu.memory_space<semaphore_mem>>)
      %dma_wait3A_169 = arith.constant 0 : i32
      %dma_wait3A_170 = arith.constant 0 : i32
      %dma_wait3A_171 = tpu.memref_slice %arg2[%add3A, %dma_wait3A_169, %dma_wait3A_170] : memref<32x20x128xi32, #tpu.memory_space<hbm>> -> memref<1x20x128xi32, #tpu.memory_space<hbm>>
      %dma_wait3A_172 = tpu.memref_squeeze %dma_wait3A_171 : memref<1x20x128xi32, #tpu.memory_space<hbm>> -> memref<20x128xi32, #tpu.memory_space<hbm>>
      %dma_wait3A_173 = arith.constant 0 : i32
      %dma_wait3A_174 = arith.constant 0 : i32
      %dma_wait3A_175 = tpu.memref_slice %arg2[%add3A, %dma_wait3A_173, %dma_wait3A_174] : memref<32x20x128xi32, #tpu.memory_space<hbm>> -> memref<1x20x128xi32, #tpu.memory_space<hbm>>
      %dma_wait3A_176 = tpu.memref_squeeze %dma_wait3A_175 : memref<1x20x128xi32, #tpu.memory_space<hbm>> -> memref<20x128xi32, #tpu.memory_space<hbm>>
      tpu.wait_dma2 semaphore(%run_scoped3A : memref<!tpu.dma_semaphore, #tpu.memory_space<semaphore_mem>>) src(%dma_wait3A_176 : memref<20x128xi32, #tpu.memory_space<hbm>>) dst(%arg5 : memref<20x128xi32, #tpu.memory_space<vmem>>)
      tpu.yield
    }) : () -> ()
    %dma_start3A = arith.constant 0 : i32
    %dma_start3A_3 = arith.constant 0 : i32
    %dma_start3A_4 = arith.constant 0 : i32
    %dma_start3A_5 = arith.constant 0 : i32
    %dma_start3A_6 = tpu.memref_slice %arg6[%dma_start3A_3, %dma_start3A_4, %dma_start3A_5] : memref<6x128x128xf32, #tpu.memory_space<vmem>> -> memref<1x128x128xf32, #tpu.memory_space<vmem>>
    %dma_start3A_7 = tpu.memref_squeeze %dma_start3A_6 : memref<1x128x128xf32, #tpu.memory_space<vmem>> -> memref<128x128xf32, #tpu.memory_space<vmem>>
    %dma_start3A_8 = arith.constant 0 : i32
    %dma_start3A_9 = tpu.memref_slice %arg5[%dma_start3A, %dma_start3A_8] : memref<20x128xi32, #tpu.memory_space<vmem>> -> memref<1x128xi32, #tpu.memory_space<vmem>>
    %dma_start3A_10 = tpu.memref_squeeze %dma_start3A_9 : memref<1x128xi32, #tpu.memory_space<vmem>> -> memref<128xi32, #tpu.memory_space<vmem>>
    %dma_start3A_11 = arith.constant 0 : i32
    %dma_start3A_12 = arith.constant 0 : i32
    %dma_start3A_13 = tpu.memref_slice %arg3[%dma_start3A_11, %dma_start3A_12] : memref<100000x128xf32, #tpu.memory_space<hbm>> -> memref<100000x128xf32, #tpu.memory_space<hbm>>
    tpu.enqueue_indirect_dma source(%dma_start3A_13 : memref<100000x128xf32, #tpu.memory_space<hbm>>) target(%dma_start3A_7 : memref<128x128xf32, #tpu.memory_space<vmem>>) offsets(%dma_start3A_10 : memref<128xi32, #tpu.memory_space<vmem>>) semaphore(%arg7 : memref<!tpu.dma_semaphore, #tpu.memory_space<semaphore_mem>>)
    %dma_start3A_14 = arith.constant 1 : i32
    %dma_start3A_15 = arith.constant 1 : i32
    %dma_start3A_16 = arith.constant 0 : i32
    %dma_start3A_17 = arith.constant 0 : i32
    %dma_start3A_18 = tpu.memref_slice %arg6[%dma_start3A_15, %dma_start3A_16, %dma_start3A_17] : memref<6x128x128xf32, #tpu.memory_space<vmem>> -> memref<1x128x128xf32, #tpu.memory_space<vmem>>
    %dma_start3A_19 = tpu.memref_squeeze %dma_start3A_18 : memref<1x128x128xf32, #tpu.memory_space<vmem>> -> memref<128x128xf32, #tpu.memory_space<vmem>>
    %dma_start3A_20 = arith.constant 0 : i32
    %dma_start3A_21 = tpu.memref_slice %arg5[%dma_start3A_14, %dma_start3A_20] : memref<20x128xi32, #tpu.memory_space<vmem>> -> memref<1x128xi32, #tpu.memory_space<vmem>>
    %dma_start3A_22 = tpu.memref_squeeze %dma_start3A_21 : memref<1x128xi32, #tpu.memory_space<vmem>> -> memref<128xi32, #tpu.memory_space<vmem>>
    %dma_start3A_23 = arith.constant 0 : i32
    %dma_start3A_24 = arith.constant 0 : i32
    %dma_start3A_25 = tpu.memref_slice %arg3[%dma_start3A_23, %dma_start3A_24] : memref<100000x128xf32, #tpu.memory_space<hbm>> -> memref<100000x128xf32, #tpu.memory_space<hbm>>
    tpu.enqueue_indirect_dma source(%dma_start3A_25 : memref<100000x128xf32, #tpu.memory_space<hbm>>) target(%dma_start3A_19 : memref<128x128xf32, #tpu.memory_space<vmem>>) offsets(%dma_start3A_22 : memref<128xi32, #tpu.memory_space<vmem>>) semaphore(%arg7 : memref<!tpu.dma_semaphore, #tpu.memory_space<semaphore_mem>>)
    %dma_start3A_26 = arith.constant 2 : i32
    %dma_start3A_27 = arith.constant 2 : i32
    %dma_start3A_28 = arith.constant 0 : i32
    %dma_start3A_29 = arith.constant 0 : i32
    %dma_start3A_30 = tpu.memref_slice %arg6[%dma_start3A_27, %dma_start3A_28, %dma_start3A_29] : memref<6x128x128xf32, #tpu.memory_space<vmem>> -> memref<1x128x128xf32, #tpu.memory_space<vmem>>
    %dma_start3A_31 = tpu.memref_squeeze %dma_start3A_30 : memref<1x128x128xf32, #tpu.memory_space<vmem>> -> memref<128x128xf32, #tpu.memory_space<vmem>>
    %dma_start3A_32 = arith.constant 0 : i32
    %dma_start3A_33 = tpu.memref_slice %arg5[%dma_start3A_26, %dma_start3A_32] : memref<20x128xi32, #tpu.memory_space<vmem>> -> memref<1x128xi32, #tpu.memory_space<vmem>>
    %dma_start3A_34 = tpu.memref_squeeze %dma_start3A_33 : memref<1x128xi32, #tpu.memory_space<vmem>> -> memref<128xi32, #tpu.memory_space<vmem>>
    %dma_start3A_35 = arith.constant 0 : i32
    %dma_start3A_36 = arith.constant 0 : i32
    %dma_start3A_37 = tpu.memref_slice %arg3[%dma_start3A_35, %dma_start3A_36] : memref<100000x128xf32, #tpu.memory_space<hbm>> -> memref<100000x128xf32, #tpu.memory_space<hbm>>
    tpu.enqueue_indirect_dma source(%dma_start3A_37 : memref<100000x128xf32, #tpu.memory_space<hbm>>) target(%dma_start3A_31 : memref<128x128xf32, #tpu.memory_space<vmem>>) offsets(%dma_start3A_34 : memref<128xi32, #tpu.memory_space<vmem>>) semaphore(%arg7 : memref<!tpu.dma_semaphore, #tpu.memory_space<semaphore_mem>>)
    %dma_start3A_38 = arith.constant 3 : i32
    %dma_start3A_39 = arith.constant 3 : i32
    %dma_start3A_40 = arith.constant 0 : i32
    %dma_start3A_41 = arith.constant 0 : i32
    %dma_start3A_42 = tpu.memref_slice %arg6[%dma_start3A_39, %dma_start3A_40, %dma_start3A_41] : memref<6x128x128xf32, #tpu.memory_space<vmem>> -> memref<1x128x128xf32, #tpu.memory_space<vmem>>
    %dma_start3A_43 = tpu.memref_squeeze %dma_start3A_42 : memref<1x128x128xf32, #tpu.memory_space<vmem>> -> memref<128x128xf32, #tpu.memory_space<vmem>>
    %dma_start3A_44 = arith.constant 0 : i32
    %dma_start3A_45 = tpu.memref_slice %arg5[%dma_start3A_38, %dma_start3A_44] : memref<20x128xi32, #tpu.memory_space<vmem>> -> memref<1x128xi32, #tpu.memory_space<vmem>>
    %dma_start3A_46 = tpu.memref_squeeze %dma_start3A_45 : memref<1x128xi32, #tpu.memory_space<vmem>> -> memref<128xi32, #tpu.memory_space<vmem>>
    %dma_start3A_47 = arith.constant 0 : i32
    %dma_start3A_48 = arith.constant 0 : i32
    %dma_start3A_49 = tpu.memref_slice %arg3[%dma_start3A_47, %dma_start3A_48] : memref<100000x128xf32, #tpu.memory_space<hbm>> -> memref<100000x128xf32, #tpu.memory_space<hbm>>
    tpu.enqueue_indirect_dma source(%dma_start3A_49 : memref<100000x128xf32, #tpu.memory_space<hbm>>) target(%dma_start3A_43 : memref<128x128xf32, #tpu.memory_space<vmem>>) offsets(%dma_start3A_46 : memref<128xi32, #tpu.memory_space<vmem>>) semaphore(%arg7 : memref<!tpu.dma_semaphore, #tpu.memory_space<semaphore_mem>>)
    %dma_start3A_50 = arith.constant 4 : i32
    %dma_start3A_51 = arith.constant 4 : i32
    %dma_start3A_52 = arith.constant 0 : i32
    %dma_start3A_53 = arith.constant 0 : i32
    %dma_start3A_54 = tpu.memref_slice %arg6[%dma_start3A_51, %dma_start3A_52, %dma_start3A_53] : memref<6x128x128xf32, #tpu.memory_space<vmem>> -> memref<1x128x128xf32, #tpu.memory_space<vmem>>
    %dma_start3A_55 = tpu.memref_squeeze %dma_start3A_54 : memref<1x128x128xf32, #tpu.memory_space<vmem>> -> memref<128x128xf32, #tpu.memory_space<vmem>>
    %dma_start3A_56 = arith.constant 0 : i32
    %dma_start3A_57 = tpu.memref_slice %arg5[%dma_start3A_50, %dma_start3A_56] : memref<20x128xi32, #tpu.memory_space<vmem>> -> memref<1x128xi32, #tpu.memory_space<vmem>>
    %dma_start3A_58 = tpu.memref_squeeze %dma_start3A_57 : memref<1x128xi32, #tpu.memory_space<vmem>> -> memref<128xi32, #tpu.memory_space<vmem>>
    %dma_start3A_59 = arith.constant 0 : i32
    %dma_start3A_60 = arith.constant 0 : i32
    %dma_start3A_61 = tpu.memref_slice %arg3[%dma_start3A_59, %dma_start3A_60] : memref<100000x128xf32, #tpu.memory_space<hbm>> -> memref<100000x128xf32, #tpu.memory_space<hbm>>
    tpu.enqueue_indirect_dma source(%dma_start3A_61 : memref<100000x128xf32, #tpu.memory_space<hbm>>) target(%dma_start3A_55 : memref<128x128xf32, #tpu.memory_space<vmem>>) offsets(%dma_start3A_58 : memref<128xi32, #tpu.memory_space<vmem>>) semaphore(%arg7 : memref<!tpu.dma_semaphore, #tpu.memory_space<semaphore_mem>>)
    %scan3A = arith.constant 0 : i32
    %scan3A_62 = arith.constant 20 : i32
    %scan3A_63 = arith.addi %scan3A, %scan3A_62 : i32
    %scan3A_64 = arith.constant 1 : i32
    scf.for %scan3A_161 = %scan3A to %scan3A_63 step %scan3A_64  : i32 {
      %add3A_162 = arith.constant 6 : i32
      %add3A_163 = arith.addi %scan3A_161, %add3A_162 : i32
      %sub3A = arith.constant 1 : i32
      %sub3A_164 = arith.subi %add3A_163, %sub3A : i32
      %lt3A = arith.constant 20 : i32
      %lt3A_165 = arith.cmpi slt, %sub3A_164, %lt3A : i32
      %ge3A = arith.constant 1 : i32
      %ge3A_166 = arith.cmpi sge, %scan3A_161, %ge3A : i32
      %and3A = arith.andi %lt3A_165, %ge3A_166 : i1
      %convert_element_type3A = arith.extui %and3A : i1 to i32
      %cond3A = arith.constant 0 : i32
      %cond3A_167 = arith.cmpi ne, %convert_element_type3A, %cond3A : i32
      scf.if %cond3A_167 {
        %dma_wait3A_203 = arith.constant 0 : i32
        %dma_wait3A_204 = arith.constant 0 : i32
        %dma_wait3A_205 = arith.constant 0 : i32
        %dma_wait3A_206 = arith.constant 0 : i32
        %dma_wait3A_207 = tpu.memref_slice %arg6[%dma_wait3A_203, %dma_wait3A_205, %dma_wait3A_206] : memref<6x128x128xf32, #tpu.memory_space<vmem>> -> memref<1x128x128xf32, #tpu.memory_space<vmem>>
        %dma_wait3A_208 = tpu.memref_squeeze %dma_wait3A_207 : memref<1x128x128xf32, #tpu.memory_space<vmem>> -> memref<128x128xf32, #tpu.memory_space<vmem>>
        %dma_wait3A_209 = arith.constant 0 : i32
        %dma_wait3A_210 = tpu.memref_slice %arg4[%dma_wait3A_204, %mul3A_2, %dma_wait3A_209] : memref<20x4096x128xf32, #tpu.memory_space<hbm>> -> memref<1x128x128xf32, #tpu.memory_space<hbm>>
        %dma_wait3A_211 = tpu.memref_squeeze %dma_wait3A_210 : memref<1x128x128xf32, #tpu.memory_space<hbm>> -> memref<128x128xf32, #tpu.memory_space<hbm>>
        %dma_wait3A_212 = arith.constant 0 : i32
        %dma_wait3A_213 = tpu.memref_slice %arg4[%dma_wait3A_204, %mul3A_2, %dma_wait3A_212] : memref<20x4096x128xf32, #tpu.memory_space<hbm>> -> memref<1x128x128xf32, #tpu.memory_space<hbm>>
        %dma_wait3A_214 = tpu.memref_squeeze %dma_wait3A_213 : memref<1x128x128xf32, #tpu.memory_space<hbm>> -> memref<128x128xf32, #tpu.memory_space<hbm>>
        %dma_wait3A_215 = arith.constant 0 : i32
        %dma_wait3A_216 = arith.constant 0 : i32
        %dma_wait3A_217 = tpu.memref_slice %arg6[%dma_wait3A_203, %dma_wait3A_215, %dma_wait3A_216] : memref<6x128x128xf32, #tpu.memory_space<vmem>> -> memref<1x128x128xf32, #tpu.memory_space<vmem>>
        %dma_wait3A_218 = tpu.memref_squeeze %dma_wait3A_217 : memref<1x128x128xf32, #tpu.memory_space<vmem>> -> memref<128x128xf32, #tpu.memory_space<vmem>>
        tpu.wait_dma2 semaphore(%arg8 : memref<!tpu.dma_semaphore, #tpu.memory_space<semaphore_mem>>) src(%dma_wait3A_218 : memref<128x128xf32, #tpu.memory_space<vmem>>) dst(%dma_wait3A_214 : memref<128x128xf32, #tpu.memory_space<hbm>>)
      } else {
      }
      %lt3A_168 = arith.constant 20 : i32
      %lt3A_169 = arith.cmpi slt, %sub3A_164, %lt3A_168 : i32
      %convert_element_type3A_170 = arith.extui %lt3A_169 : i1 to i32
      %cond3A_171 = arith.constant 0 : i32
      %cond3A_172 = arith.cmpi ne, %convert_element_type3A_170, %cond3A_171 : i32
      scf.if %cond3A_172 {
        %rem3A_203 = arith.constant 6 : i32
        %rem3A_204 = arith.remsi %sub3A_164, %rem3A_203 : i32
        %dma_start3A_205 = arith.constant 0 : i32
        %dma_start3A_206 = arith.constant 0 : i32
        %dma_start3A_207 = tpu.memref_slice %arg6[%rem3A_204, %dma_start3A_205, %dma_start3A_206] : memref<6x128x128xf32, #tpu.memory_space<vmem>> -> memref<1x128x128xf32, #tpu.memory_space<vmem>>
        %dma_start3A_208 = tpu.memref_squeeze %dma_start3A_207 : memref<1x128x128xf32, #tpu.memory_space<vmem>> -> memref<128x128xf32, #tpu.memory_space<vmem>>
        %dma_start3A_209 = arith.constant 0 : i32
        %dma_start3A_210 = tpu.memref_slice %arg5[%sub3A_164, %dma_start3A_209] : memref<20x128xi32, #tpu.memory_space<vmem>> -> memref<1x128xi32, #tpu.memory_space<vmem>>
        %dma_start3A_211 = tpu.memref_squeeze %dma_start3A_210 : memref<1x128xi32, #tpu.memory_space<vmem>> -> memref<128xi32, #tpu.memory_space<vmem>>
        %dma_start3A_212 = arith.constant 0 : i32
        %dma_start3A_213 = arith.constant 0 : i32
        %dma_start3A_214 = tpu.memref_slice %arg3[%dma_start3A_212, %dma_start3A_213] : memref<100000x128xf32, #tpu.memory_space<hbm>> -> memref<100000x128xf32, #tpu.memory_space<hbm>>
        tpu.enqueue_indirect_dma source(%dma_start3A_214 : memref<100000x128xf32, #tpu.memory_space<hbm>>) target(%dma_start3A_208 : memref<128x128xf32, #tpu.memory_space<vmem>>) offsets(%dma_start3A_211 : memref<128xi32, #tpu.memory_space<vmem>>) semaphore(%arg7 : memref<!tpu.dma_semaphore, #tpu.memory_space<semaphore_mem>>)
      } else {
      }
      %dma_wait3A_173 = arith.constant 0 : i32
      %dma_wait3A_174 = arith.constant 0 : i32
      %dma_wait3A_175 = arith.constant 0 : i32
      %dma_wait3A_176 = tpu.memref_slice %arg6[%dma_wait3A_173, %dma_wait3A_174, %dma_wait3A_175] : memref<6x128x128xf32, #tpu.memory_space<vmem>> -> memref<1x128x128xf32, #tpu.memory_space<vmem>>
      %dma_wait3A_177 = tpu.memref_squeeze %dma_wait3A_176 : memref<1x128x128xf32, #tpu.memory_space<vmem>> -> memref<128x128xf32, #tpu.memory_space<vmem>>
      %dma_wait3A_178 = arith.constant 0 : i32
      %dma_wait3A_179 = arith.constant 0 : i32
      %dma_wait3A_180 = tpu.memref_slice %arg3[%dma_wait3A_178, %dma_wait3A_179] : memref<100000x128xf32, #tpu.memory_space<hbm>> -> memref<128x128xf32, #tpu.memory_space<hbm>>
      %dma_wait3A_181 = arith.constant 0 : i32
      %dma_wait3A_182 = arith.constant 0 : i32
      %dma_wait3A_183 = tpu.memref_slice %arg6[%dma_wait3A_173, %dma_wait3A_181, %dma_wait3A_182] : memref<6x128x128xf32, #tpu.memory_space<vmem>> -> memref<1x128x128xf32, #tpu.memory_space<vmem>>
      %dma_wait3A_184 = tpu.memref_squeeze %dma_wait3A_183 : memref<1x128x128xf32, #tpu.memory_space<vmem>> -> memref<128x128xf32, #tpu.memory_space<vmem>>
      %dma_wait3A_185 = arith.constant 0 : i32
      %dma_wait3A_186 = arith.constant 0 : i32
      %dma_wait3A_187 = tpu.memref_slice %arg3[%dma_wait3A_185, %dma_wait3A_186] : memref<100000x128xf32, #tpu.memory_space<hbm>> -> memref<128x128xf32, #tpu.memory_space<hbm>>
      tpu.wait_dma2 semaphore(%arg7 : memref<!tpu.dma_semaphore, #tpu.memory_space<semaphore_mem>>) src(%dma_wait3A_187 : memref<128x128xf32, #tpu.memory_space<hbm>>) dst(%dma_wait3A_184 : memref<128x128xf32, #tpu.memory_space<vmem>>)
      %rem3A = arith.constant 6 : i32
      %rem3A_188 = arith.remsi %scan3A_161, %rem3A : i32
      %dma_start3A_189 = arith.constant 0 : i32
      %dma_start3A_190 = arith.constant 0 : i32
      %dma_start3A_191 = tpu.memref_slice %arg6[%rem3A_188, %dma_start3A_189, %dma_start3A_190] : memref<6x128x128xf32, #tpu.memory_space<vmem>> -> memref<1x128x128xf32, #tpu.memory_space<vmem>>
      %dma_start3A_192 = tpu.memref_squeeze %dma_start3A_191 : memref<1x128x128xf32, #tpu.memory_space<vmem>> -> memref<128x128xf32, #tpu.memory_space<vmem>>
      %dma_start3A_193 = arith.constant 0 : i32
      %dma_start3A_194 = tpu.memref_slice %arg4[%scan3A_161, %mul3A_2, %dma_start3A_193] : memref<20x4096x128xf32, #tpu.memory_space<hbm>> -> memref<1x128x128xf32, #tpu.memory_space<hbm>>
      %dma_start3A_195 = tpu.memref_squeeze %dma_start3A_194 : memref<1x128x128xf32, #tpu.memory_space<hbm>> -> memref<128x128xf32, #tpu.memory_space<hbm>>
      %dma_start3A_196 = arith.constant 0 : i32
      %dma_start3A_197 = tpu.memref_slice %arg4[%scan3A_161, %mul3A_2, %dma_start3A_196] : memref<20x4096x128xf32, #tpu.memory_space<hbm>> -> memref<1x128x128xf32, #tpu.memory_space<hbm>>
      %dma_start3A_198 = tpu.memref_squeeze %dma_start3A_197 : memref<1x128x128xf32, #tpu.memory_space<hbm>> -> memref<128x128xf32, #tpu.memory_space<hbm>>
      %dma_start3A_199 = arith.constant 0 : i32
      %dma_start3A_200 = arith.constant 0 : i32
      %dma_start3A_201 = tpu.memref_slice %arg6[%rem3A_188, %dma_start3A_199, %dma_start3A_200] : memref<6x128x128xf32, #tpu.memory_space<vmem>> -> memref<1x128x128xf32, #tpu.memory_space<vmem>>
      %dma_start3A_202 = tpu.memref_squeeze %dma_start3A_201 : memref<1x128x128xf32, #tpu.memory_space<vmem>> -> memref<128x128xf32, #tpu.memory_space<vmem>>
      tpu.enqueue_dma source(%dma_start3A_202 : memref<128x128xf32, #tpu.memory_space<vmem>>) target(%dma_start3A_198 : memref<128x128xf32, #tpu.memory_space<hbm>>) target_semaphore(%arg8 : memref<!tpu.dma_semaphore, #tpu.memory_space<semaphore_mem>>)
    }
    %scan3A_65 = arith.constant 20 : i32
    %dma_wait3A = arith.constant 0 : i32
    %dma_wait3A_66 = arith.constant 0 : i32
    %dma_wait3A_67 = arith.constant 0 : i32
    %dma_wait3A_68 = arith.constant 0 : i32
    %dma_wait3A_69 = tpu.memref_slice %arg6[%dma_wait3A, %dma_wait3A_67, %dma_wait3A_68] : memref<6x128x128xf32, #tpu.memory_space<vmem>> -> memref<1x128x128xf32, #tpu.memory_space<vmem>>
    %dma_wait3A_70 = tpu.memref_squeeze %dma_wait3A_69 : memref<1x128x128xf32, #tpu.memory_space<vmem>> -> memref<128x128xf32, #tpu.memory_space<vmem>>
    %dma_wait3A_71 = arith.constant 0 : i32
    %dma_wait3A_72 = tpu.memref_slice %arg4[%dma_wait3A_66, %mul3A_2, %dma_wait3A_71] : memref<20x4096x128xf32, #tpu.memory_space<hbm>> -> memref<1x128x128xf32, #tpu.memory_space<hbm>>
    %dma_wait3A_73 = tpu.memref_squeeze %dma_wait3A_72 : memref<1x128x128xf32, #tpu.memory_space<hbm>> -> memref<128x128xf32, #tpu.memory_space<hbm>>
    %dma_wait3A_74 = arith.constant 0 : i32
    %dma_wait3A_75 = tpu.memref_slice %arg4[%dma_wait3A_66, %mul3A_2, %dma_wait3A_74] : memref<20x4096x128xf32, #tpu.memory_space<hbm>> -> memref<1x128x128xf32, #tpu.memory_space<hbm>>
    %dma_wait3A_76 = tpu.memref_squeeze %dma_wait3A_75 : memref<1x128x128xf32, #tpu.memory_space<hbm>> -> memref<128x128xf32, #tpu.memory_space<hbm>>
    %dma_wait3A_77 = arith.constant 0 : i32
    %dma_wait3A_78 = arith.constant 0 : i32
    %dma_wait3A_79 = tpu.memref_slice %arg6[%dma_wait3A, %dma_wait3A_77, %dma_wait3A_78] : memref<6x128x128xf32, #tpu.memory_space<vmem>> -> memref<1x128x128xf32, #tpu.memory_space<vmem>>
    %dma_wait3A_80 = tpu.memref_squeeze %dma_wait3A_79 : memref<1x128x128xf32, #tpu.memory_space<vmem>> -> memref<128x128xf32, #tpu.memory_space<vmem>>
    tpu.wait_dma2 semaphore(%arg8 : memref<!tpu.dma_semaphore, #tpu.memory_space<semaphore_mem>>) src(%dma_wait3A_80 : memref<128x128xf32, #tpu.memory_space<vmem>>) dst(%dma_wait3A_76 : memref<128x128xf32, #tpu.memory_space<hbm>>)
    %dma_wait3A_81 = arith.constant 0 : i32
    %dma_wait3A_82 = arith.constant 0 : i32
    %dma_wait3A_83 = arith.constant 0 : i32
    %dma_wait3A_84 = arith.constant 0 : i32
    %dma_wait3A_85 = tpu.memref_slice %arg6[%dma_wait3A_81, %dma_wait3A_83, %dma_wait3A_84] : memref<6x128x128xf32, #tpu.memory_space<vmem>> -> memref<1x128x128xf32, #tpu.memory_space<vmem>>
    %dma_wait3A_86 = tpu.memref_squeeze %dma_wait3A_85 : memref<1x128x128xf32, #tpu.memory_space<vmem>> -> memref<128x128xf32, #tpu.memory_space<vmem>>
    %dma_wait3A_87 = arith.constant 0 : i32
    %dma_wait3A_88 = tpu.memref_slice %arg4[%dma_wait3A_82, %mul3A_2, %dma_wait3A_87] : memref<20x4096x128xf32, #tpu.memory_space<hbm>> -> memref<1x128x128xf32, #tpu.memory_space<hbm>>
    %dma_wait3A_89 = tpu.memref_squeeze %dma_wait3A_88 : memref<1x128x128xf32, #tpu.memory_space<hbm>> -> memref<128x128xf32, #tpu.memory_space<hbm>>
    %dma_wait3A_90 = arith.constant 0 : i32
    %dma_wait3A_91 = tpu.memref_slice %arg4[%dma_wait3A_82, %mul3A_2, %dma_wait3A_90] : memref<20x4096x128xf32, #tpu.memory_space<hbm>> -> memref<1x128x128xf32, #tpu.memory_space<hbm>>
    %dma_wait3A_92 = tpu.memref_squeeze %dma_wait3A_91 : memref<1x128x128xf32, #tpu.memory_space<hbm>> -> memref<128x128xf32, #tpu.memory_space<hbm>>
    %dma_wait3A_93 = arith.constant 0 : i32
    %dma_wait3A_94 = arith.constant 0 : i32
    %dma_wait3A_95 = tpu.memref_slice %arg6[%dma_wait3A_81, %dma_wait3A_93, %dma_wait3A_94] : memref<6x128x128xf32, #tpu.memory_space<vmem>> -> memref<1x128x128xf32, #tpu.memory_space<vmem>>
    %dma_wait3A_96 = tpu.memref_squeeze %dma_wait3A_95 : memref<1x128x128xf32, #tpu.memory_space<vmem>> -> memref<128x128xf32, #tpu.memory_space<vmem>>
    tpu.wait_dma2 semaphore(%arg8 : memref<!tpu.dma_semaphore, #tpu.memory_space<semaphore_mem>>) src(%dma_wait3A_96 : memref<128x128xf32, #tpu.memory_space<vmem>>) dst(%dma_wait3A_92 : memref<128x128xf32, #tpu.memory_space<hbm>>)
    %dma_wait3A_97 = arith.constant 0 : i32
    %dma_wait3A_98 = arith.constant 0 : i32
    %dma_wait3A_99 = arith.constant 0 : i32
    %dma_wait3A_100 = arith.constant 0 : i32
    %dma_wait3A_101 = tpu.memref_slice %arg6[%dma_wait3A_97, %dma_wait3A_99, %dma_wait3A_100] : memref<6x128x128xf32, #tpu.memory_space<vmem>> -> memref<1x128x128xf32, #tpu.memory_space<vmem>>
    %dma_wait3A_102 = tpu.memref_squeeze %dma_wait3A_101 : memref<1x128x128xf32, #tpu.memory_space<vmem>> -> memref<128x128xf32, #tpu.memory_space<vmem>>
    %dma_wait3A_103 = arith.constant 0 : i32
    %dma_wait3A_104 = tpu.memref_slice %arg4[%dma_wait3A_98, %mul3A_2, %dma_wait3A_103] : memref<20x4096x128xf32, #tpu.memory_space<hbm>> -> memref<1x128x128xf32, #tpu.memory_space<hbm>>
    %dma_wait3A_105 = tpu.memref_squeeze %dma_wait3A_104 : memref<1x128x128xf32, #tpu.memory_space<hbm>> -> memref<128x128xf32, #tpu.memory_space<hbm>>
    %dma_wait3A_106 = arith.constant 0 : i32
    %dma_wait3A_107 = tpu.memref_slice %arg4[%dma_wait3A_98, %mul3A_2, %dma_wait3A_106] : memref<20x4096x128xf32, #tpu.memory_space<hbm>> -> memref<1x128x128xf32, #tpu.memory_space<hbm>>
    %dma_wait3A_108 = tpu.memref_squeeze %dma_wait3A_107 : memref<1x128x128xf32, #tpu.memory_space<hbm>> -> memref<128x128xf32, #tpu.memory_space<hbm>>
    %dma_wait3A_109 = arith.constant 0 : i32
    %dma_wait3A_110 = arith.constant 0 : i32
    %dma_wait3A_111 = tpu.memref_slice %arg6[%dma_wait3A_97, %dma_wait3A_109, %dma_wait3A_110] : memref<6x128x128xf32, #tpu.memory_space<vmem>> -> memref<1x128x128xf32, #tpu.memory_space<vmem>>
    %dma_wait3A_112 = tpu.memref_squeeze %dma_wait3A_111 : memref<1x128x128xf32, #tpu.memory_space<vmem>> -> memref<128x128xf32, #tpu.memory_space<vmem>>
    tpu.wait_dma2 semaphore(%arg8 : memref<!tpu.dma_semaphore, #tpu.memory_space<semaphore_mem>>) src(%dma_wait3A_112 : memref<128x128xf32, #tpu.memory_space<vmem>>) dst(%dma_wait3A_108 : memref<128x128xf32, #tpu.memory_space<hbm>>)
    %dma_wait3A_113 = arith.constant 0 : i32
    %dma_wait3A_114 = arith.constant 0 : i32
    %dma_wait3A_115 = arith.constant 0 : i32
    %dma_wait3A_116 = arith.constant 0 : i32
    %dma_wait3A_117 = tpu.memref_slice %arg6[%dma_wait3A_113, %dma_wait3A_115, %dma_wait3A_116] : memref<6x128x128xf32, #tpu.memory_space<vmem>> -> memref<1x128x128xf32, #tpu.memory_space<vmem>>
    %dma_wait3A_118 = tpu.memref_squeeze %dma_wait3A_117 : memref<1x128x128xf32, #tpu.memory_space<vmem>> -> memref<128x128xf32, #tpu.memory_space<vmem>>
    %dma_wait3A_119 = arith.constant 0 : i32
    %dma_wait3A_120 = tpu.memref_slice %arg4[%dma_wait3A_114, %mul3A_2, %dma_wait3A_119] : memref<20x4096x128xf32, #tpu.memory_space<hbm>> -> memref<1x128x128xf32, #tpu.memory_space<hbm>>
    %dma_wait3A_121 = tpu.memref_squeeze %dma_wait3A_120 : memref<1x128x128xf32, #tpu.memory_space<hbm>> -> memref<128x128xf32, #tpu.memory_space<hbm>>
    %dma_wait3A_122 = arith.constant 0 : i32
    %dma_wait3A_123 = tpu.memref_slice %arg4[%dma_wait3A_114, %mul3A_2, %dma_wait3A_122] : memref<20x4096x128xf32, #tpu.memory_space<hbm>> -> memref<1x128x128xf32, #tpu.memory_space<hbm>>
    %dma_wait3A_124 = tpu.memref_squeeze %dma_wait3A_123 : memref<1x128x128xf32, #tpu.memory_space<hbm>> -> memref<128x128xf32, #tpu.memory_space<hbm>>
    %dma_wait3A_125 = arith.constant 0 : i32
    %dma_wait3A_126 = arith.constant 0 : i32
    %dma_wait3A_127 = tpu.memref_slice %arg6[%dma_wait3A_113, %dma_wait3A_125, %dma_wait3A_126] : memref<6x128x128xf32, #tpu.memory_space<vmem>> -> memref<1x128x128xf32, #tpu.memory_space<vmem>>
    %dma_wait3A_128 = tpu.memref_squeeze %dma_wait3A_127 : memref<1x128x128xf32, #tpu.memory_space<vmem>> -> memref<128x128xf32, #tpu.memory_space<vmem>>
    tpu.wait_dma2 semaphore(%arg8 : memref<!tpu.dma_semaphore, #tpu.memory_space<semaphore_mem>>) src(%dma_wait3A_128 : memref<128x128xf32, #tpu.memory_space<vmem>>) dst(%dma_wait3A_124 : memref<128x128xf32, #tpu.memory_space<hbm>>)
    %dma_wait3A_129 = arith.constant 0 : i32
    %dma_wait3A_130 = arith.constant 0 : i32
    %dma_wait3A_131 = arith.constant 0 : i32
    %dma_wait3A_132 = arith.constant 0 : i32
    %dma_wait3A_133 = tpu.memref_slice %arg6[%dma_wait3A_129, %dma_wait3A_131, %dma_wait3A_132] : memref<6x128x128xf32, #tpu.memory_space<vmem>> -> memref<1x128x128xf32, #tpu.memory_space<vmem>>
    %dma_wait3A_134 = tpu.memref_squeeze %dma_wait3A_133 : memref<1x128x128xf32, #tpu.memory_space<vmem>> -> memref<128x128xf32, #tpu.memory_space<vmem>>
    %dma_wait3A_135 = arith.constant 0 : i32
    %dma_wait3A_136 = tpu.memref_slice %arg4[%dma_wait3A_130, %mul3A_2, %dma_wait3A_135] : memref<20x4096x128xf32, #tpu.memory_space<hbm>> -> memref<1x128x128xf32, #tpu.memory_space<hbm>>
    %dma_wait3A_137 = tpu.memref_squeeze %dma_wait3A_136 : memref<1x128x128xf32, #tpu.memory_space<hbm>> -> memref<128x128xf32, #tpu.memory_space<hbm>>
    %dma_wait3A_138 = arith.constant 0 : i32
    %dma_wait3A_139 = tpu.memref_slice %arg4[%dma_wait3A_130, %mul3A_2, %dma_wait3A_138] : memref<20x4096x128xf32, #tpu.memory_space<hbm>> -> memref<1x128x128xf32, #tpu.memory_space<hbm>>
    %dma_wait3A_140 = tpu.memref_squeeze %dma_wait3A_139 : memref<1x128x128xf32, #tpu.memory_space<hbm>> -> memref<128x128xf32, #tpu.memory_space<hbm>>
    %dma_wait3A_141 = arith.constant 0 : i32
    %dma_wait3A_142 = arith.constant 0 : i32
    %dma_wait3A_143 = tpu.memref_slice %arg6[%dma_wait3A_129, %dma_wait3A_141, %dma_wait3A_142] : memref<6x128x128xf32, #tpu.memory_space<vmem>> -> memref<1x128x128xf32, #tpu.memory_space<vmem>>
    %dma_wait3A_144 = tpu.memref_squeeze %dma_wait3A_143 : memref<1x128x128xf32, #tpu.memory_space<vmem>> -> memref<128x128xf32, #tpu.memory_space<vmem>>
    tpu.wait_dma2 semaphore(%arg8 : memref<!tpu.dma_semaphore, #tpu.memory_space<semaphore_mem>>) src(%dma_wait3A_144 : memref<128x128xf32, #tpu.memory_space<vmem>>) dst(%dma_wait3A_140 : memref<128x128xf32, #tpu.memory_space<hbm>>)
    %dma_wait3A_145 = arith.constant 0 : i32
    %dma_wait3A_146 = arith.constant 0 : i32
    %dma_wait3A_147 = arith.constant 0 : i32
    %dma_wait3A_148 = arith.constant 0 : i32
    %dma_wait3A_149 = tpu.memref_slice %arg6[%dma_wait3A_145, %dma_wait3A_147, %dma_wait3A_148] : memref<6x128x128xf32, #tpu.memory_space<vmem>> -> memref<1x128x128xf32, #tpu.memory_space<vmem>>
    %dma_wait3A_150 = tpu.memref_squeeze %dma_wait3A_149 : memref<1x128x128xf32, #tpu.memory_space<vmem>> -> memref<128x128xf32, #tpu.memory_space<vmem>>
    %dma_wait3A_151 = arith.constant 0 : i32
    %dma_wait3A_152 = tpu.memref_slice %arg4[%dma_wait3A_146, %mul3A_2, %dma_wait3A_151] : memref<20x4096x128xf32, #tpu.memory_space<hbm>> -> memref<1x128x128xf32, #tpu.memory_space<hbm>>
    %dma_wait3A_153 = tpu.memref_squeeze %dma_wait3A_152 : memref<1x128x128xf32, #tpu.memory_space<hbm>> -> memref<128x128xf32, #tpu.memory_space<hbm>>
    %dma_wait3A_154 = arith.constant 0 : i32
    %dma_wait3A_155 = tpu.memref_slice %arg4[%dma_wait3A_146, %mul3A_2, %dma_wait3A_154] : memref<20x4096x128xf32, #tpu.memory_space<hbm>> -> memref<1x128x128xf32, #tpu.memory_space<hbm>>
    %dma_wait3A_156 = tpu.memref_squeeze %dma_wait3A_155 : memref<1x128x128xf32, #tpu.memory_space<hbm>> -> memref<128x128xf32, #tpu.memory_space<hbm>>
    %dma_wait3A_157 = arith.constant 0 : i32
    %dma_wait3A_158 = arith.constant 0 : i32
    %dma_wait3A_159 = tpu.memref_slice %arg6[%dma_wait3A_145, %dma_wait3A_157, %dma_wait3A_158] : memref<6x128x128xf32, #tpu.memory_space<vmem>> -> memref<1x128x128xf32, #tpu.memory_space<vmem>>
    %dma_wait3A_160 = tpu.memref_squeeze %dma_wait3A_159 : memref<1x128x128xf32, #tpu.memory_space<vmem>> -> memref<128x128xf32, #tpu.memory_space<vmem>>
    tpu.wait_dma2 semaphore(%arg8 : memref<!tpu.dma_semaphore, #tpu.memory_space<semaphore_mem>>) src(%dma_wait3A_160 : memref<128x128xf32, #tpu.memory_space<vmem>>) dst(%dma_wait3A_156 : memref<128x128xf32, #tpu.memory_space<hbm>>)
    return
  }
}

</mosaic_0001>

<sc_bundles>
// kernel: _embedding_lookup.3.cloned.1.call-start
scs
__scs_entry_jumppad:
0x0: {  	(pc) =	sbr.rel $0x88, $3  }
0x1: {  	(tag) =	ssettag $0x0;
	lr =	simm.s32 $0x1  }
0x2: {  	[smem:$0x3F9F] =	sst lr;
	_ =	strace $0xD0000000  }
0x3: {  	_ = 	snop  }
0x4: {  	_ = 	snop  }
0x5: {  	_ = 	snop  }
0x6: {  	_ = 	snop  }
0x7: {  	_ = 	snop  }
__scs_overlays_trampoline_lowered:
0x8: {  	[smem:$0x3FAE] =	sst s0  }
0x9: {  	[smem:$0x3FAF] =	sst s1  }
0xa: {  	[smem:$0x3FB0] =	sst s2  }
0xb: {  	[smem:$0x3FB1] =	sst s3  }
0xc: {  	[smem:$0x3FB2] =	sst s4  }
0xd: {  	[smem:$0x3FB3] =	sst s5  }
0xe: {  	[smem:$0x3FB4] =	sst s6  }
0xf: {  	[smem:$0x3FB5] =	sst s7  }
0x10: {  	[smem:$0x3FB6] =	sst s8  }
0x11: {  	[smem:$0x3FB7] =	sst s9;
	s0 =	simm.s32 @!p0 $0x0  }
0x12: {  	s1 =	sld [smem:$0x3F9D];
	s0 =	simm.s32 @p0 $0x1  }
0x13: {  	[smem:$0x3FB8] =	sst s0;
	s0 =	simm.s32 @!p1 $0x0  }
0x14: {  	s2 =	sld [smem:$0x3F9C];
	s0 =	simm.s32 @p1 $0x1  }
0x15: {  	[smem:$0x3FB9] =	sst s0;
	s0 =	simm.s32 @!p2 $0x0  }
0x16: {  	s3 =	sld [smem:$0x3FDB];
	s0 =	simm.s32 @p2 $0x1  }
0x17: {  	s4 =	simm.s32 $0x1BF5;
	[smem:$0x3FBB] =	sst s0  }
0x18: {  	s0 =	sld [smem:$0x3F9E];
	_ =	swait.ge [sflag:s4], $0x0  }
0x19: {  	s7 =	sld [smem:$0x3F9F]  }
0x1a: {  	s8 =	sadd.s32 $0xFFFFE003, lr  }
0x1b: {  	s9 =	sadd.s32 $0xFFFFFEF7, lr;
	s5 =	simm.s32 $0xFFFFFFFF;
	p2 =	slt.u32 s8, $0xFFFFF086  }
0x1c: {  	p1 =	slt.u32 s9, $0xF7A;
	s5 =	simm.s32 @!p2 $0x0  }
0x1d: {  	s5 =	simm.s32 @p1 $0x1;
	p0 =	seq.s32 s7, s2  }
0x1e: {  	s7 =	smul.u32 @!p0 $0xF7A, s2;
	p2 =	seq.s32 @!p0 s5, $0x0  }
0x1f: {  	s9 =	smul.u32 $0xF7A, s1;
	s8 =	simm.s32 @!p0 $0x1BF5;
	p2 =	por !p2, p0  }
0x20: {  	[sflag:s8] =	ssyncset.s32 @!p0 $0xFFFFF086;
	s6 =	sadd.s32 @!p0 s3, s7;
	s7 =	simm.s32 @!p0 $0x108  }
0x21: {  	s3 =	sadd.s32 s3, s9;
	s6 =	sadd.s32 @!p0 $0x88, s6;
	s7 =	simm.s32 @p2 $0x1082  }
0x22: {  	[simem:s7], [sflag:s8] =	dma.local @!p0 [hbm:s6], $0xF7A  }
0x23: {  	s9 =	sor.u32 $0xD0000000, s2;
	s6 =	simm.s32 $0x108;
	_ =	swait.ge @!p0 [sflag:s8], $0x0  }
0x24: {  	s3 =	sadd.s32 $0x88, s3;
	s6 =	simm.s32 @!p1 $0x1082;
	[sflag:s4] =	ssyncset.s32 $0xFFFFF086  }
0x25: {  	[simem:s6], [sflag:s4] =	dma.local [hbm:s3], $0xF7A  }
0x26: {  	[smem:$0x3F9F] =	sst s1;
	(tag) =	ssettag s2;
	_ =	strace s9  }
0x27: {  	s1 =	sld [smem:$0x3FAF]  }
0x28: {  	s2 =	sld [smem:$0x3FB0]  }
0x29: {  	s4 =	sld [smem:$0x3FB2]  }
0x2a: {  	p0 =	seq.s32 s5, $0x0;
	s5 =	sld [smem:$0x3FB3]  }
0x2b: {  	s6 =	sld [smem:$0x3FB4]  }
0x2c: {  	s7 =	sld [smem:$0x3FB5]  }
0x2d: {  	s3 =	simm.s32 $0x108;
	s8 =	sld [smem:$0x3FB6]  }
0x2e: {  	s3 =	simm.s32 @!p0 $0x1082;
	s9 =	sld [smem:$0x3FB7]  }
0x2f: {  	lr =	sadd.s32 s0, s3;
	s0 =	sld [smem:$0x3FAE]  }
0x30: {  	s3 =	sld [smem:$0x3FB1]  }
0x31: {  	[smem:$0x3FBA] =	sst s10  }
0x32: {  	s10 =	sld [smem:$0x3FB8];
	_ =	sdelay $0x3  }
0x33: {  	p0 =	seq.s32 s10, $0x1;
	s10 =	sld [smem:$0x3FBA];
	_ =	sdelay $0x3  }
0x34: {  	[smem:$0x3FBA] =	sst s10  }
0x35: {  	s10 =	sld [smem:$0x3FB9];
	_ =	sdelay $0x3  }
0x36: {  	p1 =	seq.s32 s10, $0x1;
	s10 =	sld [smem:$0x3FBA];
	_ =	sdelay $0x3  }
0x37: {  	[smem:$0x3FBA] =	sst s10  }
0x38: {  	s10 =	sld [smem:$0x3FBB]  }
0x39: {  	_ = 	snop;
	(pc) =	sbr.ind lr, $3  }
0x3a: {  	_ = 	snop  }
0x3b: {  	_ = 	snop  }
0x3c: {  	p2 =	seq.s32 s10, $0x1;
	s10 =	sld [smem:$0x3FBA]  }
0x3d: {  	_ =	shalt  }
0x3e: {  	_ =	shalt  }
0x3f: {  	_ =	shalt  }
0x40: {  	_ =	shalt  }
0x41: {  	_ =	shalt  }
0x42: {  	_ =	shalt  }
0x43: {  	_ =	shalt  }
0x44: {  	_ =	shalt  }
0x45: {  	_ =	shalt  }
0x46: {  	_ =	shalt  }
0x47: {  	_ =	shalt  }
0x48: {  	_ =	shalt  }
0x49: {  	_ =	shalt  }
0x4a: {  	_ =	shalt  }
0x4b: {  	_ =	shalt  }
0x4c: {  	_ =	shalt  }
0x4d: {  	_ =	shalt  }
0x4e: {  	_ =	shalt  }
0x4f: {  	_ =	shalt  }
0x50: {  	_ =	shalt  }
0x51: {  	_ =	shalt  }
0x52: {  	_ =	shalt  }
0x53: {  	_ =	shalt  }
0x54: {  	_ =	shalt  }
0x55: {  	_ =	shalt  }
0x56: {  	_ =	shalt  }
0x57: {  	_ =	shalt  }
0x58: {  	_ =	shalt  }
0x59: {  	_ =	shalt  }
0x5a: {  	_ =	shalt  }
0x5b: {  	_ =	shalt  }
0x5c: {  	_ =	shalt  }
0x5d: {  	_ =	shalt  }
0x5e: {  	_ =	shalt  }
0x5f: {  	_ =	shalt  }
0x60: {  	_ =	shalt  }
0x61: {  	_ =	shalt  }
0x62: {  	_ =	shalt  }
0x63: {  	_ =	shalt  }
0x64: {  	_ =	shalt  }
0x65: {  	_ =	shalt  }
0x66: {  	_ =	shalt  }
0x67: {  	_ =	shalt  }
0x68: {  	_ =	shalt  }
0x69: {  	_ =	shalt  }
0x6a: {  	_ =	shalt  }
0x6b: {  	_ =	shalt  }
0x6c: {  	_ =	shalt  }
0x6d: {  	_ =	shalt  }
0x6e: {  	_ =	shalt  }
0x6f: {  	_ =	shalt  }
0x70: {  	_ =	shalt  }
0x71: {  	_ =	shalt  }
0x72: {  	_ =	shalt  }
0x73: {  	_ =	shalt  }
0x74: {  	_ =	shalt  }
0x75: {  	_ =	shalt  }
0x76: {  	_ =	shalt  }
0x77: {  	_ =	shalt  }
0x78: {  	_ =	shalt  }
0x79: {  	_ =	shalt  }
0x7a: {  	_ =	shalt  }
0x7b: {  	_ =	shalt  }
0x7c: {  	_ =	shalt  }
0x7d: {  	_ =	shalt  }
0x7e: {  	_ =	shalt  }
0x7f: {  	_ =	shalt  }
0x80: {  	_ =	shalt  }
0x81: {  	_ =	shalt  }
0x82: {  	_ =	shalt  }
0x83: {  	_ =	shalt  }
0x84: {  	_ =	shalt  }
0x85: {  	_ =	shalt  }
0x86: {  	_ =	shalt  }
0x87: {  	_ =	shalt  }
.Lfunc_end0:
.L_simem_size_0:
called_computation_lowered:
.L_overlay_start_0:
0x88: {  	s2 =	sld [smem:$0x3FD9]  }
0x89: {  	s3 =	sld [smem:$0x3FFE];
	_ =	sdelay $0x1  }
0x8a: {  	s1 =	srdreg.scid  }
0x8b: {  	s0 =	sand.u32 $0x1, s1  }
0x8c: {  	s17 =	sshll.u32 s0, $0xA;
	s2 =	sadd.s32 s3, s2  }
0x8d: {  	s2 =	sadd.s32 s2, s17  }
0x8e: {  	[smem:$0x3FC6] =	sst s2  }
0x8f: {  	_ = 	snop  }
0x90: {  	s2 =	sld [smem:$0x3FC8]  }
0x91: {  	s18 =	sld [smem:$0x3FD0];
	(tm) =	ssettm $0x1  }
0x92: {  	s4 =	sld [smem:$0x3FFB];
	_ =	sdelay $0x3  }
0x93: {  	_ =	strace s4  }
0x94: {  	s4 =	sld [smem:$0x3FFC];
	_ =	sdelay $0x3  }
0x95: {  	_ =	strace s4  }
0x96: {  	s4 =	sld [smem:$0x3FFD];
	_ =	sdelay $0x3  }
0x97: {  	_ =	strace s4  }
0x98: {  	_ =	strace $0x8FFFFFFF  }
0x99: {  	s19 =	sld [smem:$0x3FDB];
	_ =	sdelay $0x1  }
0x9a: {  	s5 =	simm.s32 $_scs_section_size  }
0x9b: {  	s6 =	simm.s32 $_size__tile_overlayer_lowered;
	s7 =	simm.s32 $_tile_overlayer_lowered  }
0x9c: {  	s22 =	simm.s32 $0x1BFF;
	s21 =	sshll.u32 s7, $0x1;
	s4 =	sadd.s32 s5, s19  }
0x9d: {  	s8 =	simm.s32 $0x0;
	s20 =	sshll.u32 s6, $0x1;
	s6 =	sadd.s32 s21, s4  }
0x9e: {  	[timem:s8], [sflag:s22] =	dma.local [hbm:s6], s20  }
0x9f: {  	_ =	swait.ge [sflag:s22], s20  }
0xa0: {  	s5 =	ssub.s32 $0x0, s20;
	[sflag:s22] =	ssyncset.done $0x0  }
0xa1: {  	[sflag:s22] =	ssyncadd.s32 s5;
	_ =	sdelay $0x1  }
0xa2: {  	s23 =	simm.s32 $0x1B8B  }
0xa3: {  	_ =	swait.ge [sflag:s23], $0x1  }
0xa4: {  	[sflag:s23] =	ssyncset.done $0x0  }
0xa5: {  	s25 =	simm.s32 $0x1B8E;
	s24 =	sld [smem:$0x3FFE];
	[sflag:s23] =	ssyncadd.s32 $0xFFFFFFFF  }
0xa6: {  	s26 =	simm.s32 $execute0_lowered;
	[smem:$0x3FD2] =	sst s25  }
0xa7: {  	s6 =	sshll.u32 s26, $0x1;
	_ =	strace $0x80000046;
	[dreg:$0x1] =	wrdreg $0xFFFFFFFF  }
0xa8: {  	s28 =	simm.s32 $_size_execute0_lowered;
	s4 =	sadd.s32 s4, s6;
	[dreg:$0x0] =	wrdreg $0x0  }
0xa9: {  	s6 =	sshll.u32 s28, $0x1;
	[dreg:$0x2] =	wrdreg s4  }
0xaa: {  	[dreg:$0x3] =	wrdreg s6  }
0xab: {  	[dreg:$0x4] =	wrdreg $0xC0  }
0xac: {  	_ =	task [dreg:s8], $0x5FFFF  }
0xad: {  	[dreg:$0x1] =	wrdreg $0xFFFFFFFF  }
0xae: {  	[dreg:$0x0] =	wrdreg $0x60  }
0xaf: {  	[dreg:$0x2] =	wrdreg s24  }
0xb0: {  	[dreg:$0x3] =	wrdreg s2  }
0xb1: {  	[dreg:$0x4] =	wrdreg s18  }
0xb2: {  	[dreg:$0x5] =	wrdreg $0x9  }
0xb3: {  	_ =	task.clear_ibuf [dreg:s8], $0x6FFFF;
	_ =	strace $0x90000046  }
0xb4: {  	s29 =	simm.s32 $0x9;
	_ =	strace $0x80000048  }
0xb5: {  	_ =	swait.ge [sflag:s29], $0x1  }
0xb6: {  	[sflag:s29] =	ssyncadd.s32 $0xFFFFFFFF  }
0xb7: {  	_ =	strace $0x90000048  }
0xb8: {  	_ =	sfence  }
0xb9: {  	s30 =	sld [smem:$0x0];
	_ =	sdelay $0x2  }
0xba: {  	s31 =	sshll.u32 s1, $0xD;
	s1 =	sshrl.u32 s1, $0x2  }
0xbb: {  	s3 =	sand.u32 $0x4000, s31;
	s1 =	sadd.s32 s1, s30  }
0xbc: {  	s0 =	sor.u32 s3, s0;
	s1 =	sshll.u32 s1, $0x11  }
0xbd: {  	s0 =	sor.u32 s1, s0  }
0xbe: {  	s0 =	sadd.s32 $0x8F2B, s0  }
0xbf: {  	[sflag:s0] =	ssyncadd.remote.s32 $0x1  }
0xc0: {  	_ =	sfence.sel $0xFFFF  }
0xc1: {  	[dreg:$0x0] =	wrdreg $0xFFFFFFFF;
	(pc) =	sbr.abs _section_cstart, $3  }
0xc2: {  	[dreg:$0x1] =	wrdreg $0xFFFFFFFF  }
0xc3: {  	_ =	task.clear_ibuf [dreg:s8], $0x2FFFF;
	_ =	strace $0x9FFFFFFF  }
0xc4: {  	(tm) =	ssettm $0x7FFFFFFF  }
0xc5: {  	_ =	shalt  }
tec
execute0_lowered:
.L_overlay_start_1:
0x0: {  	(tag) =	ssettag $0x1  }
0x1: {  	s4 =	rddreg [dreg:$0x0]  }
0x2: {  	s2 =	rddreg [dreg:$0x1]  }
0x3: {  	s1 =	srdreg.scid;
	s0 =	stileid.u32  }
0x4: {  	s5 =	rddreg [dreg:$0x2];
	s3 =	simm.s32 $0x0;
	s10 =	simm.s32 $0x4C00  }
0x5: {  	s11 =	simm.s32 $0x100;
	s12 =	simm.s32 $0x8C00;
	s13 =	simm.s32 $0x180  }
0x6: {  	s14 =	simm.s32 $0xCC00;
	s15 =	simm.s32 $0x200;
	s16 =	simm.s32 $0x10C00  }
0x7: {  	s17 =	simm.s32 $0x2;
	s18 =	simm.s32 $0x1;
	s19 =	simm.s32 $0x0  }
0x8: {  	s6 =	sand.u32 $0x1, s1;
	s7 =	sshll.u32 s0, $0x1;
	s1 =	rddreg [dreg:$0x3]  }
0x9: {  	[smem:$0x7FF] =	sst s3;
	s31 =	sshll.u32 s0, $0xC;
	s7 =	sor.u32 s6, s7  }
.Ltmp0:
0xa: {  	s8 =	ssub.s32 $0x2, s6;
	_ =	strace $0x80000047;
	(pc) =	sbr.rel .LBB2_1-.Ltmp0, $4  }
0xb: {  	s6 =	sshll.u32 s6, $0xB;
	s7 =	smul.u32 $0x180, s7;
	s9 =	sshrl.u32 s8, $0x1  }
0xc: {  	s30 =	ssub.s32 s8, s9;
	s8 =	sadd.s32 s31, s5;
	s9 =	simm.s32 $0xC00  }
0xd: {  	s4 =	sadd.s32 s7, s4;
	s5 =	smax.u32 s30, $0x1;
	s6 =	sadd.s32 s6, s8  }
0xe: {  	s7 =	simm.s32 $0x3;
	s8 =	simm.s32 $0x80;
	s4 =	sadd.s32 $0x400, s4  }
.LBB2_7:
0xf: {  	_ =	swait.ge [sflag:s17], $0x4000  }
0x10: {  	[sflag:s17] =	ssyncset.done $0x0  }
0x11: {  	[sflag:s17] =	ssyncadd.s32 $0xFFFFC000  }
0x12: {  	_ =	swait.ge [sflag:s17], $0x4000  }
0x13: {  	[sflag:s17] =	ssyncset.done $0x0  }
0x14: {  	[sflag:s17] =	ssyncadd.s32 $0xFFFFC000  }
0x15: {  	_ =	swait.ge [sflag:s17], $0x4000  }
0x16: {  	[sflag:s17] =	ssyncset.done $0x0  }
0x17: {  	[sflag:s17] =	ssyncadd.s32 $0xFFFFC000  }
0x18: {  	_ =	swait.ge [sflag:s17], $0x4000  }
0x19: {  	[sflag:s17] =	ssyncset.done $0x0  }
0x1a: {  	s19 =	sadd.s32 $0x1, s19;
	[sflag:s17] =	ssyncadd.s32 $0xFFFFC000  }
0x1b: {  	p0 =	sne.s32 s19, s5;
	_ =	swait.ge [sflag:s17], $0x4000  }
.Ltmp1:
0x1c: {  	[sflag:s17] =	ssyncset.done $0x0;
	(pc) =	sbr.rel @!p0 .LBB2_8-.Ltmp1, $4  }
0x1d: {  	[sflag:s17] =	ssyncadd.s32 $0xFFFFC000  }
0x1e: {  	_ =	swait.ge [sflag:s17], $0x4000  }
0x1f: {  	[sflag:s17] =	ssyncset.done $0x0  }
0x20: {  	[sflag:s17] =	ssyncadd.s32 $0xFFFFC000  }
.LBB2_1:
0x21: {  	[tilespmem:s3], [sflag:$0x3] =	stream.linear.gather [hbm4b:s4+s3], $0xA00, $0x38;
	[tilespmem:$0x18C00] =	vst v63  }
0x22: {  	_ =	swait.ge [sflag:s7], $0xA00  }
0x23: {  	[sflag:s7] =	ssyncset.done $0x0  }
0x24: {  	[sflag:s7] =	ssyncadd.s32 $0xFFFFF600  }
0x25: {  	[tilespmem:s9], [sflag:$0x1] =	stream.indirect.gather [hbm4b:s2+s8], $0x80, s3, s8, $0xb8;
	[tilespmem:$0x18C00] =	vst v63  }
0x26: {  	_ = 	snop  }
0x27: {  	[tilespmem:s10], [sflag:$0x1] =	stream.indirect.gather [hbm4b:s2+s8], $0x80, s8, s8, $0xb8;
	[tilespmem:$0x18C00] =	vst v63  }
0x28: {  	_ = 	snop  }
0x29: {  	[tilespmem:s12], [sflag:$0x1] =	stream.indirect.gather [hbm4b:s2+s8], $0x80, s11, s8, $0xb8;
	[tilespmem:$0x18C00] =	vst v63  }
.Ltmp2:
0x2a: {  	_ = 	snop;
	(pc) =	sbr.rel .LBB2_2-.Ltmp2, $4  }
0x2b: {  	_ = 	snop  }
0x2c: {  	[tilespmem:s14], [sflag:$0x1] =	stream.indirect.gather [hbm4b:s2+s8], $0x80, s13, s8, $0xb8;
	[tilespmem:$0x18C00] =	vst v63  }
0x2d: {  	s23 =	simm.s32 $0xFFFFFFFF;
	s20 =	simm.s32 $0x280;
	s21 =	smov.u32 s6  }
0x2e: {  	[tilespmem:s16], [sflag:$0x1] =	stream.indirect.gather [hbm4b:s2+s8], $0x80, s15, s8, $0xb8;
	[tilespmem:$0x18C00] =	vst v63  }
.LBB2_3:
0x2f: {  	_ =	swait.ge [sflag:s17], $0x4000  }
0x30: {  	[sflag:s17] =	ssyncset.done $0x0  }
0x31: {  	[sflag:s17] =	ssyncadd.s32 $0xFFFFC000  }
.LBB2_5:
0x32: {  	s23 =	sadd.s32 $0x6, s23  }
0x33: {  	s24 =	smul.u32 $0xAB, s23;
	_ =	sdelay $0x1  }
0x34: {  	s24 =	sshrl.u32 s24, $0xA  }
0x35: {  	s24 =	sand.u32 $0x3F, s24  }
0x36: {  	s24 =	smul.u32 $0x6, s24;
	_ =	sdelay $0x1  }
0x37: {  	s23 =	ssub.s32 s23, s24  }
0x38: {  	s23 =	sand.u32 $0xFF, s23  }
0x39: {  	s23 =	sshll.u32 s23, $0xE  }
0x3a: {  	s23 =	sor.u32 $0xC00, s23  }
0x3b: {  	[tilespmem:s23], [sflag:$0x1] =	stream.indirect.gather [hbm4b:s2+s8], $0x80, s20, s8, $0xb8;
	[tilespmem:$0x18C00] =	vst v63  }
.LBB2_6:
0x3c: {  	s23 =	smul.u32 $0xAB, s22;
	_ =	sdelay $0x1  }
0x3d: {  	s23 =	sshrl.u32 s23, $0xA  }
0x3e: {  	s23 =	sand.u32 $0x3F, s23  }
0x3f: {  	s23 =	smul.u32 $0x6, s23;
	_ =	sdelay $0x1  }
0x40: {  	p0 =	sne.s32 s22, $0x13;
	s23 =	ssub.s32 s22, s23  }
.Ltmp3:
0x41: {  	_ =	swait.ge [sflag:s18], $0x4000;
	s23 =	sand.u32 $0xFF, s23;
	(pc) =	sbr.rel @!p0 .LBB2_7-.Ltmp3, $4  }
0x42: {  	[sflag:s18] =	ssyncset.done $0x0;
	s23 =	sshll.u32 s23, $0xE  }
0x43: {  	[sflag:s18] =	ssyncadd.s32 $0xFFFFC000;
	s23 =	sor.u32 $0xC00, s23  }
0x44: {  	[hbm4b:s21+s3] =	stream.linear.scatter [tilespmem:s23], [sflag:$0x2], $0x4000, $0x38;
	[tilespmem:$0x18C00] =	vst v63  }
0x45: {  	s20 =	sadd.s32 $0x80, s20;
	s21 =	sadd.s32 $0x10000, s21;
	s23 =	smov.u32 s22  }
.LBB2_2:
0x46: {  	p0 =	sgt.u32 s23, $0xD  }
.Ltmp4:
0x47: {  	_ = 	snop;
	(pc) =	sbr.rel @!p0 .LBB2_3-.Ltmp4, $2  }
0x48: {  	_ =	sdelay $0x2  }
0x49: {  	s22 =	sadd.s32 $0x1, s23  }
0x4a: {  	p0 =	sgt.u32 s22, $0xE  }
.Ltmp5:
0x4b: {  	_ = 	snop;
	(pc) =	sbr.rel @p0 .LBB2_6-.Ltmp5, $4  }
.Ltmp6:
0x4c: {  	_ = 	snop;
	(pc) =	sbr.rel @!p0 .LBB2_5-.Ltmp6, $4  }
0x4d: {  	_ = 	snop  }
0x4e: {  	_ = 	snop  }
0x4f: {  	_ = 	snop  }
0x50: {  	_ = 	snop  }
.LBB2_8:
0x51: {  	_ =	sfence.sel $0x180000  }
0x52: {  	[bflag:$0x0] =	sbarrier.arrive $0xFFFF  }
0x53: {  	p0 =	sne.s32 s0, $0x0;
	_ =	strace $0x90000047  }
0x54: {  	s0 =	sadd.s32 @!p0 $0x100000, s1;
	[bflag:$0x2] =	sbarrier.arrive $0xFFFF  }
0x55: {  	[sflag:s0] =	ssyncadd.tile.s32 @!p0 $0x1;
	_ =	shalt  }
.Lfunc_end2:
_tile_overlayer_lowered:
.L_overlay_start_2:
0x56: {  	(tag) =	ssettag $0x2  }
0x57: {  	s0 =	rddreg [dreg:$0x0];
	s2 =	stileid.u32  }
0x58: {  	s1 =	rddreg [dreg:$0x1];
	p0 =	sne.s32 s2, $0x0  }
0x59: {  	s3 =	rddreg [dreg:$0x2];
	[bflag:$0x3] =	sbarrier.arrive $0xFFFF;
	s2 =	simm.s32 @!p0 $0x1C03  }
0x5a: {  	[timem:s3], [sflag:s2] =	dma.local @!p0 [hbm:s0], s1  }
0x5b: {  	s0 =	simm.s32 @!p0 $0x3  }
0x5c: {  	_ =	swait.ge @!p0 [sflag:s0], s1  }
0x5d: {  	s1 =	ssub.s32 @!p0 $0x0, s1;
	[sflag:s0] =	ssyncset.done @!p0 $0x0  }
0x5e: {  	[sflag:s0] =	ssyncadd.s32 @!p0 s1  }
0x5f: {  	[bflag:$0x3] =	sbarrier.arrive $0xFFFF  }
0x60: {  	_ =	shalt  }

</sc_bundles>
